<compile_context>
chip_gen: v7x
topology: tpu7x:2x2x1
jax: 0.10.2.dev20260603
libtpu: 0.0.44.dev20260713+nightly
codegen_flags: <defaults>
</compile_context>

<pallas_src>
import math

import jax
import jax.numpy as jnp
from jax.experimental import pallas as pl

BLK = 400


def _body(h_ref, dt_ref, f_ref, tab_ref, w1_ref, b1_ref, w2_ref, b2_ref, o_ref):
    blk = f_ref.shape[0]
    nvocab = tab_ref.shape[0]

    hrow = h_ref[0]
    kiota = jax.lax.broadcasted_iota(jnp.int32, (nvocab, blk), 0)
    oh2 = (hrow == kiota).astype(jnp.float32)
    arow = jax.lax.dot_general(oh2, tab_ref[...], (((0,), (0,)), ((), ())),
                               preferred_element_type=jnp.float32)

    cat = jnp.concatenate([arow, f_ref[...]], axis=1)
    hf = jax.lax.dot_general(cat, w1_ref[...], (((1,), (1,)), ((), ())),
                             preferred_element_type=jnp.float32) + b1_ref[...]

    dt = jnp.transpose(dt_ref[0], (1, 0)).astype(jnp.float32)
    jiota = jax.lax.broadcasted_iota(jnp.int32, (1, 64), 1).astype(jnp.float32)
    freqs = jnp.exp(jiota * (-math.log(10000.0) / 63.0))
    arg = dt * freqs
    temb = jnp.concatenate([jnp.sin(arg), jnp.cos(arg)], axis=1)

    cat2 = jnp.concatenate([hf, temb], axis=1)
    row = jax.lax.dot_general(cat2, w2_ref[...], (((1,), (1,)), ((), ())),
                              preferred_element_type=jnp.float32) + b2_ref[...]

    t = o_ref.shape[1] // row.shape[1]
    d = row.shape[1]
    for j in range(t):
        o_ref[:, j * d:(j + 1) * d] = row


def kernel(diffusion_t, x, h, f, edge_index, edge_attr, batch, atom_emb,
           emb_lin_W, emb_lin_b, edge_emb_table, input_lin_W, input_lin_b,
           cond_emb_table):
    bn = x.shape[0]
    t = x.shape[-1]
    node_dim = atom_emb.shape[1]
    grid = bn // BLK

    h3 = h.astype(jnp.int32).reshape(grid, 1, BLK)
    dt3 = diffusion_t.astype(jnp.int32).reshape(grid, 1, BLK)
    tab = jnp.zeros((128, node_dim), jnp.float32).at[:atom_emb.shape[0]].set(atom_emb)
    b1 = emb_lin_b.reshape(1, -1)
    b2 = input_lin_b.reshape(1, -1)

    out2d = pl.pallas_call(
        _body,
        grid=(grid,),
        in_specs=[
            pl.BlockSpec((1, 1, BLK), lambda i: (i, 0, 0)),
            pl.BlockSpec((1, 1, BLK), lambda i: (i, 0, 0)),
            pl.BlockSpec((BLK, f.shape[1]), lambda i: (i, 0)),
            pl.BlockSpec((128, node_dim), lambda i: (0, 0)),
            pl.BlockSpec(emb_lin_W.shape, lambda i: (0, 0)),
            pl.BlockSpec((1, b1.shape[1]), lambda i: (0, 0)),
            pl.BlockSpec(input_lin_W.shape, lambda i: (0, 0)),
            pl.BlockSpec((1, b2.shape[1]), lambda i: (0, 0)),
        ],
        out_specs=pl.BlockSpec((BLK, node_dim * t), lambda i: (i, 0)),
        out_shape=jax.ShapeDtypeStruct((bn, node_dim * t), jnp.float32),
    )(h3, dt3, f, tab, emb_lin_W, b1, input_lin_W, b2)
    return out2d.reshape(bn, t, node_dim).transpose(0, 2, 1)

# --- scband reference (transcript-rebuilt; emitter-appended) ---
"""Pipeline reference for scband-eginterpolator-simple-16312285790837 (READ-ONLY COPY).

The authoritative reference and input builder live on the scoring server;
editing this copy changes nothing except your own understanding.
"""

import jax, jax.numpy as jnp
import numpy as np
import math

BN = 10000
E = 320000
T = 8
NODE_DIM = 256
FT_DIM = 256
EDGE_DIM = 16
HIDDEN_DIM = 256
TIME_EMB_DIM = 128


def get_timestep_embedding(timesteps, embedding_dim, max_positions=10000):
    half_dim = embedding_dim // 2
    emb = math.log(max_positions) / (half_dim - 1)
    emb = jnp.exp(jnp.arange(half_dim, dtype=jnp.float32) * -emb)
    emb = timesteps.astype(jnp.float32)[:, None] * emb[None, :]
    emb = jnp.concatenate([jnp.sin(emb), jnp.cos(emb)], axis=-1)
    return emb


def setup_inputs(seed: int = 0) -> dict:
    key = jax.random.key(seed)
    ks = jax.random.split(key, 12)
    diffusion_t = jax.random.randint(ks[0], (BN,), 0, 1000, dtype=jnp.int64 if jax.config.jax_enable_x64 else jnp.int32)
    x = jax.random.normal(ks[1], (BN, 3, T), dtype=jnp.float32)
    h = jax.random.randint(ks[2], (BN,), 0, 100)
    f = jax.random.normal(ks[3], (BN, FT_DIM), dtype=jnp.float32)
    edge_index = jax.random.randint(ks[4], (2, E), 0, BN)
    edge_attr = jax.random.randint(ks[5], (E,), 0, 50)
    batch = jnp.sort(jax.random.randint(ks[6], (BN,), 0, 64))
    atom_emb = jax.random.normal(ks[7], (100, NODE_DIM), dtype=jnp.float32) * 0.02
    emb_lin_W = jax.random.normal(ks[8], (NODE_DIM, NODE_DIM + FT_DIM), dtype=jnp.float32) * 0.02
    emb_lin_b = jnp.zeros((NODE_DIM,), dtype=jnp.float32)
    edge_emb_table = jax.random.normal(ks[9], (50, EDGE_DIM), dtype=jnp.float32) * 0.02
    input_lin_W = jax.random.normal(ks[10], (HIDDEN_DIM, NODE_DIM + TIME_EMB_DIM), dtype=jnp.float32) * 0.02
    input_lin_b = jnp.zeros((HIDDEN_DIM,), dtype=jnp.float32)
    cond_emb_table = jax.random.normal(ks[11], (1, HIDDEN_DIM), dtype=jnp.float32) * 0.02
    return {
        'diffusion_t': diffusion_t, 'x': x, 'h': h, 'f': f,
        'edge_index': edge_index, 'edge_attr': edge_attr, 'batch': batch,
        'atom_emb': atom_emb, 'emb_lin_W': emb_lin_W, 'emb_lin_b': emb_lin_b,
        'edge_emb_table': edge_emb_table, 'input_lin_W': input_lin_W,
        'input_lin_b': input_lin_b, 'cond_emb_table': cond_emb_table,
    }


def reference(diffusion_t, x, h, f, edge_index, edge_attr, batch,
              atom_emb, emb_lin_W, emb_lin_b, edge_emb_table,
              input_lin_W, input_lin_b, cond_emb_table):
    # Embedding submodule: atom embedding gather + linear + edge embedding gather
    atom_embed = jnp.take(atom_emb, h, axis=0)                      # [BN, node_dim]
    h_feat = jnp.concatenate([atom_embed, f], axis=-1) @ emb_lin_W.T + emb_lin_b  # [BN, node_dim]
    e = jnp.take(edge_emb_table, edge_attr, axis=0)                 # [E, edge_dim]

    bn = x.shape[0]
    t = x.shape[-1]
    # conditioning='none' -> cond_mask all zeros, c=0, T==Tc; x unchanged by cond masking
    t_emb = get_timestep_embedding(diffusion_t, TIME_EMB_DIM)       # [BN, time_emb_dim]
    t_emb = jnp.repeat(t_emb[:, :, None], t, axis=-1)               # [BN, time_emb_dim, T]
    h_feat = jnp.repeat(h_feat[:, :, None], t, axis=-1)             # [BN, node_dim, T]
    h_cat = jnp.concatenate([h_feat, t_emb], axis=1)                # [BN, node_dim+time_emb_dim, T]
    # merge_time_dim -> linear -> separate_time_dim
    h_m = jnp.transpose(h_cat, (0, 2, 1)).reshape(bn * t, -1)
    h_m = h_m @ input_lin_W.T + input_lin_b
    h_out = jnp.transpose(h_m.reshape(bn, t, -1), (0, 2, 1))        # [BN, hidden, T]
    # cond embedding (computed in torch forward, unused for n_layers=0)
    cond_idx = jnp.zeros((bn, t), dtype=jnp.int32)
    _cond_emb = jnp.transpose(jnp.take(cond_emb_table, cond_idx, axis=0), (0, 2, 1))
    _e_t = jnp.repeat(e[:, :, None], t, axis=-1)
    # n_layers = 0 -> layer loop does not execute; output is the embedded node state
    return h_out


if False:  # reference __main__ guard neutralized (emitter)
    out = reference(**setup_inputs())
    print(out.shape)

if __name__ == "__main__":
    import jax
    _d = setup_inputs()
    print(jax.jit(kernel)(*tuple(_d.values())))

</pallas_src>

<mosaic_0001>
module attributes {stable_mosaic.version = 14 : i64} {
  func.func @_body(%arg0: i32, %arg1: memref<1x1x400xi32, #tpu.memory_space<vmem>>, %arg2: memref<1x1x400xi32, #tpu.memory_space<vmem>>, %arg3: memref<400x256xf32, #tpu.memory_space<vmem>>, %arg4: memref<128x256xf32, #tpu.memory_space<vmem>>, %arg5: memref<256x512xf32, #tpu.memory_space<vmem>>, %arg6: memref<1x256xf32, #tpu.memory_space<vmem>>, %arg7: memref<256x384xf32, #tpu.memory_space<vmem>>, %arg8: memref<1x256xf32, #tpu.memory_space<vmem>>, %arg9: memref<400x2048xf32, #tpu.memory_space<vmem>>) attributes {dimension_semantics = [#tpu.dimension_semantics<arbitrary>], iteration_bounds = array<i64: 25>, scalar_prefetch = 0 : i64, scratch_operands = 0 : i64, tpu.core_type = #tpu.core_type<tc>, window_params = [{transform_indices = @transform_0, window_bounds = array<i64: 1, 1, 400>}, {transform_indices = @transform_1, window_bounds = array<i64: 1, 1, 400>}, {transform_indices = @transform_2, window_bounds = array<i64: 400, 256>}, {pipeline_mode = #tpu.pipeline_mode<synchronous>, transform_indices = @transform_3, window_bounds = array<i64: 128, 256>}, {pipeline_mode = #tpu.pipeline_mode<synchronous>, transform_indices = @transform_4, window_bounds = array<i64: 256, 512>}, {pipeline_mode = #tpu.pipeline_mode<synchronous>, transform_indices = @transform_5, window_bounds = array<i64: 1, 256>}, {pipeline_mode = #tpu.pipeline_mode<synchronous>, transform_indices = @transform_6, window_bounds = array<i64: 256, 384>}, {pipeline_mode = #tpu.pipeline_mode<synchronous>, transform_indices = @transform_7, window_bounds = array<i64: 1, 256>}, {transform_indices = @transform_8, window_bounds = array<i64: 400, 2048>}]} {
    %get3A = arith.constant 0 : index
    %get3A_0 = arith.constant 0 : index
    %get3A_1 = arith.constant 0 : index
    %get3A_2 = vector.load %arg1[%get3A, %get3A_0, %get3A_1] : memref<1x1x400xi32, #tpu.memory_space<vmem>>, vector<1x1x400xi32>
    %get3A_3 = vector.shape_cast %get3A_2 : vector<1x1x400xi32> to vector<1x400xi32>
    %iota3A = tpu.iota {dimensions = array<i32: 0>} : vector<128x400xi32>
    %eq3A = vector.broadcast %get3A_3 : vector<1x400xi32> to vector<128x400xi32>
    %eq3A_4 = arith.cmpi eq, %eq3A, %iota3A : vector<128x400xi32>
    %convert_element_type3A = arith.extui %eq3A_4 : vector<128x400xi1> to vector<128x400xi32>
    %convert_element_type3A_5 = arith.sitofp %convert_element_type3A : vector<128x400xi32> to vector<128x400xf32>
    %get3A_6 = arith.constant 0 : index
    %get3A_7 = arith.constant 0 : index
    %get3A_8 = vector.load %arg4[%get3A_6, %get3A_7] : memref<128x256xf32, #tpu.memory_space<vmem>>, vector<128x256xf32>
    %dot_general3A = arith.constant dense<0.000000e+00> : vector<400x256xf32>
    %dot_general3A_9 = tpu.matmul %convert_element_type3A_5, %get3A_8, %dot_general3A {dimension_numbers = #tpu.dot_dimension_numbers<[0], [0], [1], [1], [0, 1, 1, 1], [], []>, transpose_lhs_hint = false} : vector<128x400xf32>, vector<128x256xf32>, vector<400x256xf32> -> vector<400x256xf32>
    %get3A_10 = arith.constant 0 : index
    %get3A_11 = arith.constant 0 : index
    %get3A_12 = vector.load %arg3[%get3A_10, %get3A_11] : memref<400x256xf32, #tpu.memory_space<vmem>>, vector<400x256xf32>
    %concatenate3A = tpu.concatenate %dot_general3A_9, %get3A_12 in 1 : vector<400x256xf32>, vector<400x256xf32> -> vector<400x512xf32>
    %get3A_13 = arith.constant 0 : index
    %get3A_14 = arith.constant 0 : index
    %get3A_15 = vector.load %arg5[%get3A_13, %get3A_14] : memref<256x512xf32, #tpu.memory_space<vmem>>, vector<256x512xf32>
    %dot_general3A_16 = arith.constant dense<0.000000e+00> : vector<400x256xf32>
    %dot_general3A_17 = tpu.matmul %concatenate3A, %get3A_15, %dot_general3A_16 {dimension_numbers = #tpu.dot_dimension_numbers<[1], [1], [0], [0], [0, 0, 1, 0], [], []>, transpose_lhs_hint = false} : vector<400x512xf32>, vector<256x512xf32>, vector<400x256xf32> -> vector<400x256xf32>
    %get3A_18 = arith.constant 0 : index
    %get3A_19 = arith.constant 0 : index
    %get3A_20 = vector.load %arg6[%get3A_18, %get3A_19] : memref<1x256xf32, #tpu.memory_space<vmem>>, vector<1x256xf32>
    %add3A = vector.broadcast %get3A_20 : vector<1x256xf32> to vector<400x256xf32>
    %add3A_21 = arith.addf %dot_general3A_17, %add3A : vector<400x256xf32>
    %get3A_22 = arith.constant 0 : index
    %get3A_23 = arith.constant 0 : index
    %get3A_24 = arith.constant 0 : index
    %get3A_25 = vector.load %arg2[%get3A_22, %get3A_23, %get3A_24] : memref<1x1x400xi32, #tpu.memory_space<vmem>>, vector<1x1x400xi32>
    %get3A_26 = vector.shape_cast %get3A_25 : vector<1x1x400xi32> to vector<1x400xi32>
    %transpose3A = tpu.transpose %get3A_26, [1, 0] : vector<1x400xi32> -> vector<400x1xi32>
    %convert_element_type3A_27 = arith.sitofp %transpose3A : vector<400x1xi32> to vector<400x1xf32>
    %iota3A_28 = tpu.iota {dimensions = array<i32: 1>} : vector<1x64xi32>
    %convert_element_type3A_29 = arith.sitofp %iota3A_28 : vector<1x64xi32> to vector<1x64xf32>
    %mul3A = arith.constant -0.146195874 : f32
    %mul3A_30 = vector.broadcast %mul3A : f32 to vector<1x64xf32>
    %mul3A_31 = arith.mulf %convert_element_type3A_29, %mul3A_30 : vector<1x64xf32>
    %exp3A = math.exp %mul3A_31 : vector<1x64xf32>
    %mul3A_32 = vector.broadcast %convert_element_type3A_27 : vector<400x1xf32> to vector<400x64xf32>
    %mul3A_33 = vector.broadcast %exp3A : vector<1x64xf32> to vector<400x64xf32>
    %mul3A_34 = arith.mulf %mul3A_32, %mul3A_33 : vector<400x64xf32>
    %sin3A = math.sin %mul3A_34 : vector<400x64xf32>
    %cos3A = math.cos %mul3A_34 : vector<400x64xf32>
    %concatenate3A_35 = tpu.concatenate %sin3A, %cos3A in 1 : vector<400x64xf32>, vector<400x64xf32> -> vector<400x128xf32>
    %concatenate3A_36 = tpu.concatenate %add3A_21, %concatenate3A_35 in 1 : vector<400x256xf32>, vector<400x128xf32> -> vector<400x384xf32>
    %get3A_37 = arith.constant 0 : index
    %get3A_38 = arith.constant 0 : index
    %get3A_39 = vector.load %arg7[%get3A_37, %get3A_38] : memref<256x384xf32, #tpu.memory_space<vmem>>, vector<256x384xf32>
    %dot_general3A_40 = arith.constant dense<0.000000e+00> : vector<400x256xf32>
    %dot_general3A_41 = tpu.matmul %concatenate3A_36, %get3A_39, %dot_general3A_40 {dimension_numbers = #tpu.dot_dimension_numbers<[1], [1], [0], [0], [0, 0, 1, 0], [], []>, transpose_lhs_hint = false} : vector<400x384xf32>, vector<256x384xf32>, vector<400x256xf32> -> vector<400x256xf32>
    %get3A_42 = arith.constant 0 : index
    %get3A_43 = arith.constant 0 : index
    %get3A_44 = vector.load %arg8[%get3A_42, %get3A_43] : memref<1x256xf32, #tpu.memory_space<vmem>>, vector<1x256xf32>
    %add3A_45 = vector.broadcast %get3A_44 : vector<1x256xf32> to vector<400x256xf32>
    %add3A_46 = arith.addf %dot_general3A_41, %add3A_45 : vector<400x256xf32>
    %swap3A = arith.constant 0 : index
    %swap3A_47 = arith.constant 0 : index
    %swap3A_48 = vector.load %arg9[%swap3A, %swap3A_47] : memref<400x2048xf32, #tpu.memory_space<vmem>>, vector<400x256xf32>
    tpu.vector_store %arg9[%swap3A, %swap3A_47], %add3A_46 {strides = array<i32>} : memref<400x2048xf32, #tpu.memory_space<vmem>>, vector<400x256xf32>,
    %swap3A_49 = arith.constant 0 : index
    %swap3A_50 = arith.constant 256 : index
    %swap3A_51 = vector.load %arg9[%swap3A_49, %swap3A_50] : memref<400x2048xf32, #tpu.memory_space<vmem>>, vector<400x256xf32>
    tpu.vector_store %arg9[%swap3A_49, %swap3A_50], %add3A_46 {strides = array<i32>} : memref<400x2048xf32, #tpu.memory_space<vmem>>, vector<400x256xf32>,
    %swap3A_52 = arith.constant 0 : index
    %swap3A_53 = arith.constant 512 : index
    %swap3A_54 = vector.load %arg9[%swap3A_52, %swap3A_53] : memref<400x2048xf32, #tpu.memory_space<vmem>>, vector<400x256xf32>
    tpu.vector_store %arg9[%swap3A_52, %swap3A_53], %add3A_46 {strides = array<i32>} : memref<400x2048xf32, #tpu.memory_space<vmem>>, vector<400x256xf32>,
    %swap3A_55 = arith.constant 0 : index
    %swap3A_56 = arith.constant 768 : index
    %swap3A_57 = vector.load %arg9[%swap3A_55, %swap3A_56] : memref<400x2048xf32, #tpu.memory_space<vmem>>, vector<400x256xf32>
    tpu.vector_store %arg9[%swap3A_55, %swap3A_56], %add3A_46 {strides = array<i32>} : memref<400x2048xf32, #tpu.memory_space<vmem>>, vector<400x256xf32>,
    %swap3A_58 = arith.constant 0 : index
    %swap3A_59 = arith.constant 1024 : index
    %swap3A_60 = vector.load %arg9[%swap3A_58, %swap3A_59] : memref<400x2048xf32, #tpu.memory_space<vmem>>, vector<400x256xf32>
    tpu.vector_store %arg9[%swap3A_58, %swap3A_59], %add3A_46 {strides = array<i32>} : memref<400x2048xf32, #tpu.memory_space<vmem>>, vector<400x256xf32>,
    %swap3A_61 = arith.constant 0 : index
    %swap3A_62 = arith.constant 1280 : index
    %swap3A_63 = vector.load %arg9[%swap3A_61, %swap3A_62] : memref<400x2048xf32, #tpu.memory_space<vmem>>, vector<400x256xf32>
    tpu.vector_store %arg9[%swap3A_61, %swap3A_62], %add3A_46 {strides = array<i32>} : memref<400x2048xf32, #tpu.memory_space<vmem>>, vector<400x256xf32>,
    %swap3A_64 = arith.constant 0 : index
    %swap3A_65 = arith.constant 1536 : index
    %swap3A_66 = vector.load %arg9[%swap3A_64, %swap3A_65] : memref<400x2048xf32, #tpu.memory_space<vmem>>, vector<400x256xf32>
    tpu.vector_store %arg9[%swap3A_64, %swap3A_65], %add3A_46 {strides = array<i32>} : memref<400x2048xf32, #tpu.memory_space<vmem>>, vector<400x256xf32>,
    %swap3A_67 = arith.constant 0 : index
    %swap3A_68 = arith.constant 1792 : index
    %swap3A_69 = vector.load %arg9[%swap3A_67, %swap3A_68] : memref<400x2048xf32, #tpu.memory_space<vmem>>, vector<400x256xf32>
    tpu.vector_store %arg9[%swap3A_67, %swap3A_68], %add3A_46 {strides = array<i32>} : memref<400x2048xf32, #tpu.memory_space<vmem>>, vector<400x256xf32>,
    return
  }
  func.func @transform_0(%arg0: i32) -> (i32, i32, i32) {
    %c0_i32 = arith.constant 0 : i32
    %c0_i32_0 = arith.constant 0 : i32
    %c0_i32_1 = arith.constant 0 : i32
    return %arg0, %c0_i32, %c0_i32_0 : i32, i32, i32
  }
  func.func @transform_1(%arg0: i32) -> (i32, i32, i32) {
    %c0_i32 = arith.constant 0 : i32
    %c0_i32_0 = arith.constant 0 : i32
    %c0_i32_1 = arith.constant 0 : i32
    return %arg0, %c0_i32, %c0_i32_0 : i32, i32, i32
  }
  func.func @transform_2(%arg0: i32) -> (i32, i32) {
    %c0_i32 = arith.constant 0 : i32
    %c0_i32_0 = arith.constant 0 : i32
    return %arg0, %c0_i32 : i32, i32
  }
  func.func @transform_3(%arg0: i32) -> (i32, i32) {
    %c0_i32 = arith.constant 0 : i32
    %c0_i32_0 = arith.constant 0 : i32
    %c0_i32_1 = arith.constant 0 : i32
    return %c0_i32, %c0_i32_0 : i32, i32
  }
  func.func @transform_4(%arg0: i32) -> (i32, i32) {
    %c0_i32 = arith.constant 0 : i32
    %c0_i32_0 = arith.constant 0 : i32
    %c0_i32_1 = arith.constant 0 : i32
    return %c0_i32, %c0_i32_0 : i32, i32
  }
  func.func @transform_5(%arg0: i32) -> (i32, i32) {
    %c0_i32 = arith.constant 0 : i32
    %c0_i32_0 = arith.constant 0 : i32
    %c0_i32_1 = arith.constant 0 : i32
    return %c0_i32, %c0_i32_0 : i32, i32
  }
  func.func @transform_6(%arg0: i32) -> (i32, i32) {
    %c0_i32 = arith.constant 0 : i32
    %c0_i32_0 = arith.constant 0 : i32
    %c0_i32_1 = arith.constant 0 : i32
    return %c0_i32, %c0_i32_0 : i32, i32
  }
  func.func @transform_7(%arg0: i32) -> (i32, i32) {
    %c0_i32 = arith.constant 0 : i32
    %c0_i32_0 = arith.constant 0 : i32
    %c0_i32_1 = arith.constant 0 : i32
    return %c0_i32, %c0_i32_0 : i32, i32
  }
  func.func @transform_8(%arg0: i32) -> (i32, i32) {
    %c0_i32 = arith.constant 0 : i32
    %c0_i32_0 = arith.constant 0 : i32
    return %arg0, %c0_i32 : i32, i32
  }
}

</mosaic_0001>

<sc_bundles>
// kernel: sparse-core-data-format-call.cloned.1.call-start
scs
called_computation_lowered:
.L_overlay_start_0:
0x0: {  	s2 =	sld [smem:$0x3FD9]  }
0x1: {  	s3 =	sld [smem:$0x3FFE];
	_ =	sdelay $0x1  }
0x2: {  	s1 =	srdreg.scid  }
0x3: {  	s0 =	sand.u32 $0x1, s1  }
0x4: {  	s18 =	sshll.u32 s0, $0xA;
	s2 =	sadd.s32 s3, s2  }
0x5: {  	s2 =	sadd.s32 s2, s18  }
0x6: {  	[smem:$0x3FC0] =	sst s2  }
0x7: {  	_ = 	snop  }
0x8: {  	s2 =	sld [smem:$0x3FD0];
	(tm) =	ssettm $0x1  }
0x9: {  	s19 =	sld [smem:$0x3FFB];
	_ =	sdelay $0x3  }
0xa: {  	_ =	strace s19  }
0xb: {  	s3 =	sld [smem:$0x3FFC];
	_ =	sdelay $0x3  }
0xc: {  	_ =	strace s3  }
0xd: {  	s3 =	sld [smem:$0x3FFD];
	_ =	sdelay $0x3  }
0xe: {  	_ =	strace s3  }
0xf: {  	_ =	strace $0x8FFFFFFF  }
0x10: {  	s20 =	sld [smem:$0x3FDB];
	_ =	sdelay $0x1  }
0x11: {  	s4 =	simm.s32 $_scs_section_size  }
0x12: {  	s5 =	simm.s32 $_size__tile_overlayer_lowered;
	s6 =	simm.s32 $_tile_overlayer_lowered  }
0x13: {  	s23 =	simm.s32 $0x1BFF;
	s22 =	sshll.u32 s6, $0x1;
	s3 =	sadd.s32 s4, s20  }
0x14: {  	s7 =	simm.s32 $0x0;
	s21 =	sshll.u32 s5, $0x1;
	s5 =	sadd.s32 s22, s3  }
0x15: {  	[timem:s7], [sflag:s23] =	dma.local [hbm:s5], s21  }
0x16: {  	_ =	swait.ge [sflag:s23], s21  }
0x17: {  	s4 =	ssub.s32 $0x0, s21;
	[sflag:s23] =	ssyncset.done $0x0  }
0x18: {  	[sflag:s23] =	ssyncadd.s32 s4;
	_ =	sdelay $0x1  }
0x19: {  	s24 =	simm.s32 $0x1B8B  }
0x1a: {  	_ =	swait.ge [sflag:s24], $0x1  }
0x1b: {  	[sflag:s24] =	ssyncset.done $0x0  }
0x1c: {  	s26 =	simm.s32 $0x1B8E;
	s25 =	sld [smem:$0x3FFE];
	[sflag:s24] =	ssyncadd.s32 $0xFFFFFFFF  }
0x1d: {  	s27 =	simm.s32 $execute0_lowered;
	[smem:$0x3FD2] =	sst s26  }
0x1e: {  	s5 =	sshll.u32 s27, $0x1;
	_ =	strace $0x80000046;
	[dreg:$0x1] =	wrdreg $0xFFFFFFFF  }
0x1f: {  	s28 =	simm.s32 $_size_execute0_lowered;
	s3 =	sadd.s32 s3, s5;
	[dreg:$0x0] =	wrdreg $0x0  }
0x20: {  	s5 =	sshll.u32 s28, $0x1;
	[dreg:$0x2] =	wrdreg s3  }
0x21: {  	[dreg:$0x3] =	wrdreg s5  }
0x22: {  	[dreg:$0x4] =	wrdreg $0xC0  }
0x23: {  	_ =	task [dreg:s7], $0x5FFFF  }
0x24: {  	[dreg:$0x1] =	wrdreg $0xFFFFFFFF  }
0x25: {  	[dreg:$0x0] =	wrdreg $0x60  }
0x26: {  	[dreg:$0x2] =	wrdreg s25  }
0x27: {  	[dreg:$0x3] =	wrdreg s2  }
0x28: {  	[dreg:$0x4] =	wrdreg $0x9  }
0x29: {  	_ =	task.clear_ibuf [dreg:s7], $0x5FFFF;
	_ =	strace $0x90000046  }
0x2a: {  	s29 =	simm.s32 $0x9;
	_ =	strace $0x80000048  }
0x2b: {  	_ =	swait.ge [sflag:s29], $0x1  }
0x2c: {  	[sflag:s29] =	ssyncadd.s32 $0xFFFFFFFF  }
0x2d: {  	_ =	strace $0x90000048  }
0x2e: {  	_ =	sfence  }
0x2f: {  	s30 =	sld [smem:$0x0];
	_ =	sdelay $0x2  }
0x30: {  	s31 =	sshll.u32 s1, $0xD;
	s1 =	sshrl.u32 s1, $0x2  }
0x31: {  	s3 =	sand.u32 $0x4000, s31;
	s1 =	sadd.s32 s1, s30  }
0x32: {  	s0 =	sor.u32 s3, s0;
	s1 =	sshll.u32 s1, $0x11  }
0x33: {  	s0 =	sor.u32 s1, s0  }
0x34: {  	s0 =	sadd.s32 $0x8F2B, s0  }
0x35: {  	[sflag:s0] =	ssyncadd.remote.s32 $0x1  }
0x36: {  	_ =	sfence.sel $0xFFFF  }
0x37: {  	[dreg:$0x0] =	wrdreg $0xFFFFFFFF;
	(pc) =	sbr.abs _section_cstart, $3  }
0x38: {  	[dreg:$0x1] =	wrdreg $0xFFFFFFFF  }
0x39: {  	_ =	task.clear_ibuf [dreg:s7], $0x2FFFF;
	_ =	strace $0x9FFFFFFF  }
0x3a: {  	(tm) =	ssettm $0x7FFFFFFF  }
0x3b: {  	_ =	shalt  }
tec
execute0_lowered:
.L_overlay_start_1:
0x0: {  	(tag) =	ssettag $0x1  }
0x1: {  	s4 =	rddreg [dreg:$0x0]  }
0x2: {  	s0 =	srdreg.scid;
	s2 =	rddreg [dreg:$0x1]  }
0x3: {  	s1 =	stileid.u32;
	s5 =	simm.s32 $0x1;
	s7 =	simm.s32 $0x2  }
0x4: {  	s8 =	simm.s32 $0x0;
	s9 =	simm.s32 $0x0;
	s3 =	sshll.u32 s0, $0x4  }
.Ltmp0:
0x5: {  	s12 =	simm.s32 $0x0;
	s3 =	sand.u32 $0x10, s3;
	(pc) =	sbr.rel .LBB1_1-.Ltmp0, $4  }
0x6: {  	s11 =	simm.s32 $0x0;
	s18 =	simm.s32 $0x0;
	s3 =	sor.u32 s1, s3  }
0x7: {  	s0 =	rddreg [dreg:$0x2];
	_ =	strace $0x80000047;
	s6 =	ssub.s32 $0x501, s3  }
0x8: {  	s4 =	sadd.s32 $0xE00, s4;
	[sflag:s5] =	ssyncpa.u1 $0x0;
	s6 =	sshrl.u32 s6, $0x5  }
0x9: {  	[sflag:s7] =	ssyncpa.u1 $0x0;
	s10 =	smov.u32 s3;
	s7 =	sadd.s32 $0x1, s6  }
.LBB1_7:
0xa: {  	s14 =	sadd.s32 $0x20, s10  }
0xb: {  	p1 =	sgt.s32 s14, $0x4E1  }
0xc: {  	s14 =	smov.u32 @p1 s3;
	p1 =	sne.s32 s11, s7  }
.Ltmp1:
0xd: {  	p0 =	slt.u32 s11, $0x2;
	(pc) =	sbr.rel @!p1 .LBB1_8-.Ltmp1, $4  }
0xe: {  	s13 =	simm.s32 @!p0 $0x2  }
0xf: {  	s15 =	sadd.s32 $0x1, s11;
	_ =	swait.ge @!p0 [sflag:s13], $0x4000  }
0x10: {  	s12 =	smov.u32 s10;
	s9 =	sadd.s32 $0x4000, s9;
	[sflag:s13] =	ssyncset.done @!p0 $0x0  }
0x11: {  	s11 =	smov.u32 s15;
	s10 =	smov.u32 s14;
	[sflag:s13] =	ssyncadd.s32 @!p0 $0xFFFFC000  }
.LBB1_1:
0x12: {  	p0 =	sge.u32 s11, s6  }
0x13: {  	s13 =	sxor.u32 @!p0 $0xFFFFFFFF, s11  }
0x14: {  	s31 =	sadd.s32 $0xFFFFFFFF, s11;
	s14 =	sshll.u32 @!p0 s10, $0xB;
	s13 =	sshll.u32 @!p0 s13, $0xE  }
0x15: {  	s15 =	simm.s32 @!p0 $0x0;
	s14 =	sadd.s32 @!p0 s4, s14;
	s13 =	sand.u32 @!p0 $0x4000, s13  }
0x16: {  	[tilespmem:s13], [sflag:$0x1] =	stream.linear.gather @!p0 [hbm4b:s14+s15], $0x4000, $0x38;
	[tilespmem:$0x10000] =	vst v63  }
0x17: {  	p0 =	sge.u32 s31, s6  }
.Ltmp2:
0x18: {  	_ = 	snop;
	(pc) =	sbr.rel @p0 .LBB1_7-.Ltmp2, $1  }
0x19: {  	_ =	sdelay $0x3  }
0x1a: {  	s13 =	sshll.u32 s9, $0x2;
	_ =	swait.ge [sflag:s5], $0x4000;
	s14 =	sshll.u32 s11, $0xE  }
0x1b: {  	p0 =	por $0x0, $0x0;
	s19 =	simm.s32 $0x0;
	s20 =	simm.s32 $0x0  }
0x1c: {  	s13 =	sand.u32 $0x10000, s13;
	[sflag:s5] =	ssyncset.done $0x0;
	s16 =	sand.u32 $0x4000, s14  }
0x1d: {  	s17 =	sshrl.u32 s13, $0x2;
	[sflag:s5] =	ssyncadd.s32 $0xFFFFC000;
	s14 =	sor.u32 $0x8000, s16  }
0x1e: {  	s13 =	sor.u32 $0x40, s17;
	s15 =	sor.u32 $0x8410, s17;
	s17 =	sadd.s32 $0x8400, s17  }
.LBB1_3:
0x1f: {  	v1 =	vld [tilespmem:s13+$0xFFFFFFD0]  }
0x20: {  	v2 =	vld [tilespmem:s13+$0x430]  }
0x21: {  	s21 =	sshll.u32 s20, $0xB;
	v4 =	vld [tilespmem:s13+$0xFFFFFFE0]  }
0x22: {  	v7 =	vld [tilespmem:s13+$0xFFFFFFF0];
	v0 =	vmov s21  }
0x23: {  	v8 =	vld [tilespmem:s13+$0x0]  }
0x24: {  	s30 =	sand.u32 $0x300, s18;
	v9 =	vld [tilespmem:s13+$0x10]  }
0x25: {  	s22 =	sand.u32 $0x80, s18;
	v10 =	vld [tilespmem:s13+$0x20];
	s21 =	sadd.s32 s30, s16  }
0x26: {  	v11 =	vld [tilespmem:s13+$0x30];
	s21 =	sadd.s32 s22, s21;
	s22 =	simm.s32 $0x1;
	[tilespmem:s15+$0x60] =	vst v2  }
0x27: {  	s31 =	sshll.u32 s19, $0x2;
	s22 =	simm.s32 @!p0 $0x0;
	[tilespmem:s15+$0xFFFFFC00] =	vst v1;
	v3 =	vld.idx.msk [tilespmem:v0+s21+$0x400 ss:$0x1], $0xffff  }
0x28: {  	v6 =	vld [tilespmem:s13+$0x3D0];
	s22 =	sshll.u32 s22, $0x9;
	[tilespmem:s15+$0xFFFFFC10] =	vst v4;
	s21 =	sand.u32 $0xFFFFFC00, s31  }
0x29: {  	v5 =	vld [tilespmem:s13+$0x3E0];
	[tilespmem:s15+$0xFFFFFC20] =	vst v7;
	s21 =	sor.u32 s22, s21  }
0x2a: {  	[tilespmem:s15+$0xFFFFFC30] =	vst v8;
	v4 =	vld [tilespmem:s13+$0x400];
	s21 =	sshrl.u32 s21, $0x2  }
0x2b: {  	[tilespmem:s15+$0xFFFFFC40] =	vst v9;
	v1 =	vld [tilespmem:s13+$0x410];
	s21 =	sadd.s32 s21, s17  }
0x2c: {  	[tilespmem:s21+$0x0] =	vst v3;
	v3 =	vld [tilespmem:s13+$0x3F0]  }
0x2d: {  	s25 =	simm.s32 $0x80;
	s24 =	simm.s32 $0x100;
	[tilespmem:s15+$0xFFFFFC50] =	vst v10;
	v2 =	vld [tilespmem:s13+$0x420]  }
0x2e: {  	s23 =	smov.u32 s15;
	s26 =	sand.u32 $0x300, s25;
	v7 =	vld [tilespmem:s13+$0xFFFFFFC0];
	[tilespmem:s15+$0xFFFFFC60] =	vst v11;
	s22 =	sadd.s32 $0x80, s13  }
.LBB1_4:
0x2f: {  	p1 =	sne.s32 s24, $0x380;
	v8 =	vld [tilespmem:s22+$0xFFFFFFD0];
	s25 =	sand.u32 $0x80, s25;
	s26 =	sadd.s32 s26, s16;
	[tilespmem:s23+$0x0] =	vst v6  }
0x30: {  	s26 =	sadd.s32 s25, s26;
	v6 =	vld [tilespmem:s22+$0x430];
	[tilespmem:s23+$0x10] =	vst v5;
	s25 =	smov.u32 s24  }
0x31: {  	v5 =	vld.idx.msk [tilespmem:v0+s26+$0x400 ss:$0x1], $0xffff;
	[tilespmem:s23+$0x20] =	vst v3  }
0x32: {  	v3 =	vld [tilespmem:s22+$0xFFFFFFE0];
	[tilespmem:s23+$0x30] =	vst v4  }
0x33: {  	v4 =	vld [tilespmem:s22+$0xFFFFFFF0];
	[tilespmem:s23+$0xFFFFFBF0] =	vst v7  }
0x34: {  	v7 =	vld [tilespmem:s22+$0x0];
	[tilespmem:s23+$0x40] =	vst v1  }
0x35: {  	v1 =	vld [tilespmem:s22+$0x10];
	[tilespmem:s23+$0x50] =	vst v2;
	s23 =	sadd.s32 $0x800, s23  }
0x36: {  	s21 =	sadd.s32 $0x800, s21;
	v2 =	vld [tilespmem:s22+$0x20];
	[tilespmem:s23+$0x60] =	vst v6  }
0x37: {  	v9 =	vld [tilespmem:s22+$0x30];
	[tilespmem:s21+$0x0] =	vst v5  }
0x38: {  	[tilespmem:s23+$0xFFFFFC00] =	vst v8;
	v6 =	vld [tilespmem:s22+$0x3D0]  }
0x39: {  	[tilespmem:s23+$0xFFFFFC10] =	vst v3;
	v5 =	vld [tilespmem:s22+$0x3E0]  }
.Ltmp3:
0x3a: {  	[tilespmem:s23+$0xFFFFFC20] =	vst v4;
	v3 =	vld [tilespmem:s22+$0x3F0];
	(pc) =	sbr.rel @p1 .LBB1_4-.Ltmp3, $4  }
0x3b: {  	[tilespmem:s23+$0xFFFFFC30] =	vst v7;
	v4 =	vld [tilespmem:s22+$0x400]  }
0x3c: {  	[tilespmem:s23+$0xFFFFFC40] =	vst v1;
	v1 =	vld [tilespmem:s22+$0x410]  }
0x3d: {  	[tilespmem:s23+$0xFFFFFC50] =	vst v2;
	v2 =	vld [tilespmem:s22+$0x420]  }
0x3e: {  	s24 =	sadd.s32 $0x80, s24;
	s26 =	sand.u32 $0x300, s25;
	v7 =	vld [tilespmem:s22+$0xFFFFFFC0];
	[tilespmem:s23+$0xFFFFFC60] =	vst v9;
	s22 =	sadd.s32 $0x80, s22  }
0x3f: {  	[tilespmem:s23+$0x0] =	vst v6  }
0x40: {  	[tilespmem:s23+$0x10] =	vst v5  }
0x41: {  	v49 =	vld [tilespmem:s22+$0x430];
	[tilespmem:s23+$0x20] =	vst v3  }
0x42: {  	v50 =	vld [tilespmem:s22+$0xFFFFFFD0];
	[tilespmem:s23+$0x30] =	vst v4  }
0x43: {  	v51 =	vld [tilespmem:s22+$0xFFFFFFE0];
	[tilespmem:s23+$0x40] =	vst v1  }
0x44: {  	v52 =	vld [tilespmem:s22+$0xFFFFFFF0];
	[tilespmem:s23+$0x50] =	vst v2  }
0x45: {  	s31 =	sadd.s32 $0x800, s23;
	v53 =	vld [tilespmem:s22+$0x0];
	[tilespmem:s23+$0xFFFFFBF0] =	vst v7  }
0x46: {  	v54 =	vld [tilespmem:s22+$0x10];
	[tilespmem:s31+$0x60] =	vst v49  }
0x47: {  	v55 =	vld [tilespmem:s22+$0x20];
	[tilespmem:s31+$0xFFFFFC00] =	vst v50  }
0x48: {  	v56 =	vld [tilespmem:s22+$0x30];
	[tilespmem:s31+$0xFFFFFC10] =	vst v51  }
0x49: {  	v57 =	vld [tilespmem:s22+$0x3D0];
	[tilespmem:s31+$0xFFFFFC20] =	vst v52  }
0x4a: {  	v58 =	vld [tilespmem:s22+$0x3E0];
	[tilespmem:s31+$0xFFFFFC30] =	vst v53  }
0x4b: {  	v59 =	vld [tilespmem:s22+$0x3F0];
	[tilespmem:s31+$0xFFFFFC40] =	vst v54  }
0x4c: {  	v60 =	vld [tilespmem:s22+$0x400];
	[tilespmem:s31+$0xFFFFFC50] =	vst v55  }
0x4d: {  	v61 =	vld [tilespmem:s22+$0xFFFFFFC0];
	[tilespmem:s31+$0xFFFFFC60] =	vst v56  }
0x4e: {  	s24 =	sand.u32 $0x80, s25;
	s30 =	sadd.s32 s26, s16;
	v62 =	vld [tilespmem:s22+$0x410];
	[tilespmem:s31+$0x0] =	vst v57  }
0x4f: {  	v63 =	vld [tilespmem:s22+$0x420];
	s20 =	sadd.s32 $0x1, s20;
	s24 =	sadd.s32 s24, s30;
	[tilespmem:s31+$0x10] =	vst v58  }
0x50: {  	p1 =	sne.s32 s20, $0x8;
	v0 =	vld.idx.msk [tilespmem:v0+s24+$0x400 ss:$0x1], $0xffff;
	[tilespmem:s31+$0x20] =	vst v59  }
.Ltmp4:
0x51: {  	[tilespmem:s31+$0x30] =	vst v60;
	(pc) =	sbr.rel @p1 .LBB1_3-.Ltmp4, $4  }
0x52: {  	[tilespmem:s31+$0xFFFFFBF0] =	vst v61  }
0x53: {  	[tilespmem:s31+$0x40] =	vst v62  }
0x54: {  	s21 =	sadd.s32 $0x800, s21;
	s13 =	sadd.s32 $0x800, s13;
	[tilespmem:s31+$0x50] =	vst v63  }
0x55: {  	s19 =	sadd.s32 $0x80, s19;
	p0 =	por !p0, !p0;
	s15 =	sadd.s32 $0x80, s15;
	[tilespmem:s21+$0x0] =	vst v0  }
.Ltmp5:
0x56: {  	(pc) =	sbr.rel .LBB1_7-.Ltmp5, $4  }
0x57: {  	_ = 	snop  }
0x58: {  	s12 =	sshll.u32 s12, $0xB  }
0x59: {  	s12 =	sadd.s32 s2, s12  }
0x5a: {  	[hbm4b:s12+s8] =	stream.linear.scatter [tilespmem:s14], [sflag:$0x2], $0x4000, $0x38;
	[tilespmem:$0x10000] =	vst v63  }
.LBB1_8:
0x5b: {  	_ =	sfence.sel $0x180000  }
0x5c: {  	s2 =	simm.s32 $0x1;
	[bflag:$0x0] =	sbarrier.arrive $0xFFFF  }
0x5d: {  	s31 =	simm.s32 $0x2;
	[sflag:s2] =	ssyncpa.u1 $0x1  }
0x5e: {  	[sflag:s31] =	ssyncpa.u1 $0x1  }
0x5f: {  	p0 =	sne.s32 s1, $0x0;
	_ =	strace $0x90000047  }
0x60: {  	s0 =	sadd.s32 @!p0 $0x100000, s0;
	[bflag:$0x2] =	sbarrier.arrive $0xFFFF  }
0x61: {  	[sflag:s0] =	ssyncadd.tile.s32 @!p0 $0x1;
	_ =	shalt  }
.Lfunc_end1:
_tile_overlayer_lowered:
.L_overlay_start_2:
0x62: {  	(tag) =	ssettag $0x2  }
0x63: {  	s0 =	rddreg [dreg:$0x0];
	s2 =	stileid.u32  }
0x64: {  	s1 =	rddreg [dreg:$0x1];
	p0 =	sne.s32 s2, $0x0  }
0x65: {  	s3 =	rddreg [dreg:$0x2];
	[bflag:$0x3] =	sbarrier.arrive $0xFFFF;
	s2 =	simm.s32 @!p0 $0x1C01  }
0x66: {  	[timem:s3], [sflag:s2] =	dma.local @!p0 [hbm:s0], s1  }
0x67: {  	s0 =	simm.s32 @!p0 $0x1  }
0x68: {  	_ =	swait.ge @!p0 [sflag:s0], s1  }
0x69: {  	s1 =	ssub.s32 @!p0 $0x0, s1;
	[sflag:s0] =	ssyncset.done @!p0 $0x0  }
0x6a: {  	[sflag:s0] =	ssyncadd.s32 @!p0 s1  }
0x6b: {  	[bflag:$0x3] =	sbarrier.arrive $0xFFFF  }
0x6c: {  	_ =	shalt  }

</sc_bundles>
